<compile_context>
chip_gen: v7x
topology: tpu7x:2x2x1
jax: 0.10.2.dev20260603
libtpu: 0.0.44.dev20260713+nightly
codegen_flags: <defaults>
</compile_context>

<pallas_src>
import functools

import jax
import jax.numpy as jnp
from jax import lax
from jax.experimental import pallas as pl
from jax.experimental.pallas import tpu as pltpu
from jax.experimental.pallas import tpu_sc as plsc

_SMOOTH = 1.0
_LANES = 16


@functools.lru_cache(maxsize=None)
def _build_tc_count_kernel(n_rows: int, n_cols: int, row0: int, rows_tc: int,
                           bs: int):
    grid = (rows_tc // bs,)

    def body(p_ref, t_ref, o_ref):
        @pl.when(pl.program_id(0) == 0)
        def _():
            o_ref[...] = jnp.zeros_like(o_ref)

        eq = (p_ref[...] == t_ref[...]).astype(jnp.int32)
        o_ref[...] += jnp.sum(eq, axis=0, keepdims=True)

    blk = pl.BlockSpec((bs, n_cols), lambda i: (i + row0 // bs, 0))
    return pl.pallas_call(
        body,
        grid=grid,
        in_specs=[blk, blk],
        out_specs=pl.BlockSpec((1, n_cols), lambda i: (0, 0)),
        out_shape=jax.ShapeDtypeStruct((1, n_cols), jnp.int32),
    )


@functools.lru_cache(maxsize=None)
def _build_count_kernel(rows_sc: int, n_cols: int):
    info = plsc.get_sparse_core_info()
    nc, ns = info.num_cores, info.num_subcores
    nw = nc * ns
    rows_w = rows_sc // nw
    assert rows_sc % nw == 0 and n_cols % _LANES == 0
    vmem_budget = 500 * 1024
    chunk_rows = rows_w
    if rows_w % 2 == 0 and 4 * (rows_w // 2) * n_cols * 4 <= vmem_budget:
        chunk_rows = rows_w // 2
    else:
        for cr in (16, 8, 4, 2, 1):
            if rows_w % cr == 0 and (rows_w // cr) % 2 == 0:
                chunk_rows = cr
                break
    n_chunks = rows_w // chunk_rows
    assert n_chunks % 2 == 0 or n_chunks == 1
    assert 4 * chunk_rows * n_cols * 4 <= vmem_budget or n_chunks == 1
    cvecs = n_cols // _LANES

    mesh = plsc.VectorSubcoreMesh(core_axis_name="c", subcore_axis_name="s")

    @functools.partial(
        pl.kernel,
        mesh=mesh,
        out_type=jax.ShapeDtypeStruct((nw, _LANES), jnp.int32),
        scratch_types=[
            pltpu.VMEM((chunk_rows, n_cols), jnp.int32),
            pltpu.VMEM((chunk_rows, n_cols), jnp.int32),
            pltpu.VMEM((chunk_rows, n_cols), jnp.int32),
            pltpu.VMEM((chunk_rows, n_cols), jnp.int32),
            pltpu.VMEM((_LANES,), jnp.int32),
            pltpu.SemaphoreType.DMA,
            pltpu.SemaphoreType.DMA,
            pltpu.SemaphoreType.DMA,
            pltpu.SemaphoreType.DMA,
        ],
    )
    def count_eq(preds_hbm, targets_hbm, out_hbm,
                 pbuf0, tbuf0, pbuf1, tbuf1, acc_v,
                 sp0, st0, sp1, st1):
        wid = lax.axis_index("s") * nc + lax.axis_index("c")
        base = wid * rows_w
        bufs = ((pbuf0, tbuf0), (pbuf1, tbuf1))
        sems = ((sp0, st0), (sp1, st1))

        def start(ci, b):
            r0 = base + ci * chunk_rows
            pltpu.make_async_copy(preds_hbm.at[pl.ds(r0, chunk_rows), :],
                                  bufs[b][0], sems[b][0]).start()
            pltpu.make_async_copy(targets_hbm.at[pl.ds(r0, chunk_rows), :],
                                  bufs[b][1], sems[b][1]).start()

        def wait(b):
            pltpu.make_async_copy(preds_hbm.at[pl.ds(0, chunk_rows), :],
                                  bufs[b][0], sems[b][0]).wait()
            pltpu.make_async_copy(targets_hbm.at[pl.ds(0, chunk_rows), :],
                                  bufs[b][1], sems[b][1]).wait()

        def compute(b, accs):
            pb, tb = bufs[b]

            def row_body(r, accs4):
                def col_body(j, accs4):
                    a = list(accs4)
                    for k in range(4):
                        c = (j * 4 + k) * _LANES
                        p = pb[r, pl.ds(c, _LANES)]
                        t = tb[r, pl.ds(c, _LANES)]
                        a[k] = a[k] + jnp.where(p == t, 1, 0).astype(
                            jnp.int32)
                    return tuple(a)

                return lax.fori_loop(0, cvecs // 4, col_body, accs4,
                                     unroll=2)

            return lax.fori_loop(0, chunk_rows, row_body, accs)

        zero = jnp.zeros((_LANES,), jnp.int32)
        accs = (zero, zero, zero, zero)
        if n_chunks == 1:
            start(0, 0)
            wait(0)
            accs = compute(0, accs)
        elif n_chunks == 2:
            start(0, 0)
            start(1, 1)
            wait(0)
            accs = compute(0, accs)
            wait(1)
            accs = compute(1, accs)
        else:
            start(0, 0)

            def pair_body(pi, accs):
                c0 = pi * 2
                wait(0)
                start(c0 + 1, 1)
                accs = compute(0, accs)
                wait(1)

                @pl.when(c0 + 2 < n_chunks)
                def _():
                    start(c0 + 2, 0)

                return compute(1, accs)

            accs = lax.fori_loop(0, n_chunks // 2, pair_body, accs)
        acc_v[...] = accs[0] + accs[1] + accs[2] + accs[3]
        pltpu.sync_copy(acc_v, out_hbm.at[wid])

    return count_eq


_SC_ROW_FRAC = 0.25


def kernel(preds, targets):
    n_total = preds.size
    n_cols = preds.shape[-1]
    n_rows = n_total // n_cols
    p2 = preds.reshape(n_rows, n_cols)
    t2 = targets.reshape(n_rows, n_cols)
    rows_sc = int(n_rows * _SC_ROW_FRAC) // 256 * 256
    rows_tc = n_rows - rows_sc
    bs = next(b for b in (1024, 832, 768, 512, 416, 256, 128, 64, 8)
              if rows_tc % b == 0 and rows_sc % b == 0)
    parts = []
    if rows_sc:
        parts.append(_build_count_kernel(rows_sc, n_cols)(p2, t2).reshape(-1))
    if rows_tc:
        parts.append(_build_tc_count_kernel(n_rows, n_cols, rows_sc, rows_tc,
                                            bs)(p2, t2).reshape(-1))
    total = jnp.concatenate(parts).sum() if len(parts) > 1 else parts[0].sum()
    matches = total.astype(jnp.float32)
    denom = jnp.float32(2.0 * n_total + _SMOOTH)
    return 1.0 - (2.0 * matches + _SMOOTH) / denom

# --- scband reference (transcript-rebuilt; emitter-appended) ---
"""Pipeline reference for scband-dice-loss-39436389711935 (READ-ONLY COPY).

The authoritative reference and input builder live on the scoring server;
editing this copy changes nothing except your own understanding.
"""

import jax, jax.numpy as jnp
import numpy as np

CLASSES = 21
SMOOTH = 1.0

def _make_one_hot(labels, classes):
    # labels: int[B,1,H,W] -> one_hot float32[B,classes,H,W] via scatter-overwrite,
    # faithful to torch one_hot.scatter_(1, labels, 1)
    B, _, H, W = labels.shape
    one_hot = jnp.zeros((B, classes, H, W), dtype=jnp.float32)
    b_idx = jnp.arange(B)[:, None, None]
    h_idx = jnp.arange(H)[None, :, None]
    w_idx = jnp.arange(W)[None, None, :]
    lab = labels[:, 0]  # [B,H,W]
    one_hot = one_hot.at[b_idx, lab, h_idx, w_idx].set(1.0)
    return one_hot

def calculate_area(prediction, target, classes):
    one_hot_preds = _make_one_hot(prediction, classes)
    one_hot_targets = _make_one_hot(target, classes)
    intersection = (one_hot_preds * one_hot_targets).sum(axis=(2, 3))  # [B, classes]
    pPreds = one_hot_preds.sum(axis=(0, 2, 3))   # [classes]
    pTarget = one_hot_targets.sum(axis=(0, 2, 3))  # [classes]
    return intersection, pPreds, pTarget

def setup_inputs(seed: int = 0) -> dict:
    key = jax.random.key(seed)
    k1, k2 = jax.random.split(key)
    preds = jax.random.randint(k1, (8, 1, 512, 512), 0, CLASSES, dtype=jnp.int64) if jax.config.jax_enable_x64 else jax.random.randint(k1, (8, 1, 512, 512), 0, CLASSES, dtype=jnp.int32)
    targets = jax.random.randint(k2, (8, 1, 512, 512), 0, CLASSES, dtype=jnp.int32)
    preds = preds.astype(jnp.int32)
    return {"preds": preds, "targets": targets}

def reference(preds, targets):
    aInter, aPreds, aLabels = calculate_area(preds, targets, CLASSES)
    loss = 1.0 - (2.0 * aInter.sum() + SMOOTH) / (aPreds.sum() + aLabels.sum() + SMOOTH)
    return loss

if __name__ == "__main__":
    import jax
    _d = setup_inputs()
    print(jax.jit(kernel)(*tuple(_d.values())))

</pallas_src>

<mosaic_0001>
#map = affine_map<(d0, d1) -> (0, 0)>
module attributes {stable_mosaic.version = 14 : i64} {
  func.func @count_eq(%arg0: i32, %arg1: i32, %arg2: memref<4096x512xi32, #tpu.memory_space<hbm>>, %arg3: memref<4096x512xi32, #tpu.memory_space<hbm>>, %arg4: memref<32x16xi32, #tpu.memory_space<hbm>>, %arg5: memref<16x512xi32, #tpu.memory_space<vmem>>, %arg6: memref<16x512xi32, #tpu.memory_space<vmem>>, %arg7: memref<16x512xi32, #tpu.memory_space<vmem>>, %arg8: memref<16x512xi32, #tpu.memory_space<vmem>>, %arg9: memref<16xi32, #tpu.memory_space<vmem>>, %arg10: memref<!tpu.dma_semaphore, #tpu.memory_space<semaphore_mem>>, %arg11: memref<!tpu.dma_semaphore, #tpu.memory_space<semaphore_mem>>, %arg12: memref<!tpu.dma_semaphore, #tpu.memory_space<semaphore_mem>>, %arg13: memref<!tpu.dma_semaphore, #tpu.memory_space<semaphore_mem>>) attributes {dimension_semantics = [#tpu.dimension_semantics<core_parallel>, #tpu.dimension_semantics<subcore_parallel>], iteration_bounds = array<i64: 2, 16>, scalar_prefetch = 0 : i64, scratch_operands = 9 : i64, tpu.core_type = #tpu.core_type<sc_vector_subcore>, window_params = [{transform_indices = #map}, {transform_indices = #map}, {transform_indices = #map}]} {
    %mul3A = arith.constant 2 : i32
    %mul3A_0 = arith.muli %arg1, %mul3A : i32
    %add3A = arith.addi %mul3A_0, %arg0 : i32
    %mul3A_1 = arith.constant 32 : i32
    %mul3A_2 = arith.muli %add3A, %mul3A_1 : i32
    %broadcast_in_dim3A = arith.constant 0 : i32
    %broadcast_in_dim3A_3 = vector.broadcast %broadcast_in_dim3A : i32 to vector<16xi32>
    %add3A_4 = arith.constant 0 : i32
    %add3A_5 = arith.addi %mul3A_2, %add3A_4 : i32
    %dma_start3A = arith.constant 0 : i32
    %dma_start3A_6 = tpu.memref_slice %arg2[%add3A_5, %dma_start3A] : memref<4096x512xi32, #tpu.memory_space<hbm>> -> memref<16x512xi32, #tpu.memory_space<hbm>>
    %dma_start3A_7 = arith.constant 0 : i32
    %dma_start3A_8 = tpu.memref_slice %arg2[%add3A_5, %dma_start3A_7] : memref<4096x512xi32, #tpu.memory_space<hbm>> -> memref<16x512xi32, #tpu.memory_space<hbm>>
    tpu.enqueue_dma source(%dma_start3A_8 : memref<16x512xi32, #tpu.memory_space<hbm>>) target(%arg5 : memref<16x512xi32, #tpu.memory_space<vmem>>) target_semaphore(%arg10 : memref<!tpu.dma_semaphore, #tpu.memory_space<semaphore_mem>>)
    %dma_start3A_9 = arith.constant 0 : i32
    %dma_start3A_10 = tpu.memref_slice %arg3[%add3A_5, %dma_start3A_9] : memref<4096x512xi32, #tpu.memory_space<hbm>> -> memref<16x512xi32, #tpu.memory_space<hbm>>
    %dma_start3A_11 = arith.constant 0 : i32
    %dma_start3A_12 = tpu.memref_slice %arg3[%add3A_5, %dma_start3A_11] : memref<4096x512xi32, #tpu.memory_space<hbm>> -> memref<16x512xi32, #tpu.memory_space<hbm>>
    tpu.enqueue_dma source(%dma_start3A_12 : memref<16x512xi32, #tpu.memory_space<hbm>>) target(%arg6 : memref<16x512xi32, #tpu.memory_space<vmem>>) target_semaphore(%arg11 : memref<!tpu.dma_semaphore, #tpu.memory_space<semaphore_mem>>)
    %add3A_13 = arith.constant 16 : i32
    %add3A_14 = arith.addi %mul3A_2, %add3A_13 : i32
    %dma_start3A_15 = arith.constant 0 : i32
    %dma_start3A_16 = tpu.memref_slice %arg2[%add3A_14, %dma_start3A_15] : memref<4096x512xi32, #tpu.memory_space<hbm>> -> memref<16x512xi32, #tpu.memory_space<hbm>>
    %dma_start3A_17 = arith.constant 0 : i32
    %dma_start3A_18 = tpu.memref_slice %arg2[%add3A_14, %dma_start3A_17] : memref<4096x512xi32, #tpu.memory_space<hbm>> -> memref<16x512xi32, #tpu.memory_space<hbm>>
    tpu.enqueue_dma source(%dma_start3A_18 : memref<16x512xi32, #tpu.memory_space<hbm>>) target(%arg7 : memref<16x512xi32, #tpu.memory_space<vmem>>) target_semaphore(%arg12 : memref<!tpu.dma_semaphore, #tpu.memory_space<semaphore_mem>>)
    %dma_start3A_19 = arith.constant 0 : i32
    %dma_start3A_20 = tpu.memref_slice %arg3[%add3A_14, %dma_start3A_19] : memref<4096x512xi32, #tpu.memory_space<hbm>> -> memref<16x512xi32, #tpu.memory_space<hbm>>
    %dma_start3A_21 = arith.constant 0 : i32
    %dma_start3A_22 = tpu.memref_slice %arg3[%add3A_14, %dma_start3A_21] : memref<4096x512xi32, #tpu.memory_space<hbm>> -> memref<16x512xi32, #tpu.memory_space<hbm>>
    tpu.enqueue_dma source(%dma_start3A_22 : memref<16x512xi32, #tpu.memory_space<hbm>>) target(%arg8 : memref<16x512xi32, #tpu.memory_space<vmem>>) target_semaphore(%arg13 : memref<!tpu.dma_semaphore, #tpu.memory_space<semaphore_mem>>)
    %dma_wait3A = arith.constant 0 : i32
    %dma_wait3A_23 = arith.constant 0 : i32
    %dma_wait3A_24 = tpu.memref_slice %arg2[%dma_wait3A, %dma_wait3A_23] : memref<4096x512xi32, #tpu.memory_space<hbm>> -> memref<16x512xi32, #tpu.memory_space<hbm>>
    %dma_wait3A_25 = arith.constant 0 : i32
    %dma_wait3A_26 = arith.constant 0 : i32
    %dma_wait3A_27 = tpu.memref_slice %arg2[%dma_wait3A_25, %dma_wait3A_26] : memref<4096x512xi32, #tpu.memory_space<hbm>> -> memref<16x512xi32, #tpu.memory_space<hbm>>
    tpu.wait_dma2 semaphore(%arg10 : memref<!tpu.dma_semaphore, #tpu.memory_space<semaphore_mem>>) src(%dma_wait3A_27 : memref<16x512xi32, #tpu.memory_space<hbm>>) dst(%arg5 : memref<16x512xi32, #tpu.memory_space<vmem>>)
    %dma_wait3A_28 = arith.constant 0 : i32
    %dma_wait3A_29 = arith.constant 0 : i32
    %dma_wait3A_30 = tpu.memref_slice %arg3[%dma_wait3A_28, %dma_wait3A_29] : memref<4096x512xi32, #tpu.memory_space<hbm>> -> memref<16x512xi32, #tpu.memory_space<hbm>>
    %dma_wait3A_31 = arith.constant 0 : i32
    %dma_wait3A_32 = arith.constant 0 : i32
    %dma_wait3A_33 = tpu.memref_slice %arg3[%dma_wait3A_31, %dma_wait3A_32] : memref<4096x512xi32, #tpu.memory_space<hbm>> -> memref<16x512xi32, #tpu.memory_space<hbm>>
    tpu.wait_dma2 semaphore(%arg11 : memref<!tpu.dma_semaphore, #tpu.memory_space<semaphore_mem>>) src(%dma_wait3A_33 : memref<16x512xi32, #tpu.memory_space<hbm>>) dst(%arg6 : memref<16x512xi32, #tpu.memory_space<vmem>>)
    %scan3A = arith.constant 0 : i32
    %scan3A_34 = arith.constant 16 : i32
    %scan3A_35 = arith.addi %scan3A, %scan3A_34 : i32
    %scan3A_36 = arith.constant 1 : i32
    %scan3A_37:4 = scf.for %scan3A_63 = %scan3A to %scan3A_35 step %scan3A_36 iter_args(%scan3A_64 = %broadcast_in_dim3A_3, %scan3A_65 = %broadcast_in_dim3A_3, %scan3A_66 = %broadcast_in_dim3A_3, %scan3A_67 = %broadcast_in_dim3A_3) -> (vector<16xi32>, vector<16xi32>, vector<16xi32>, vector<16xi32>)  : i32 {
      %scan3A_68 = arith.constant 0 : i32
      %scan3A_69 = arith.constant 8 : i32
      %scan3A_70 = arith.addi %scan3A_68, %scan3A_69 : i32
      %scan3A_71 = arith.constant 2 : i32
      %scan3A_72:4 = scf.for %scan3A_74 = %scan3A_68 to %scan3A_70 step %scan3A_71 iter_args(%scan3A_75 = %scan3A_64, %scan3A_76 = %scan3A_65, %scan3A_77 = %scan3A_66, %scan3A_78 = %scan3A_67) -> (vector<16xi32>, vector<16xi32>, vector<16xi32>, vector<16xi32>)  : i32 {
        %mul3A_79 = arith.constant 4 : i32
        %mul3A_80 = arith.muli %scan3A_74, %mul3A_79 : i32
        %add3A_81 = arith.constant 0 : i32
        %add3A_82 = arith.addi %mul3A_80, %add3A_81 : i32
        %mul3A_83 = arith.constant 16 : i32
        %mul3A_84 = arith.muli %add3A_82, %mul3A_83 : i32
        %get3A = arith.index_cast %scan3A_63 : i32 to index
        %get3A_85 = arith.index_cast %mul3A_84 : i32 to index
        %get3A_86 = tpu.vector_load %arg5[%get3A, %get3A_85] {strides = array<i32>} : memref<16x512xi32, #tpu.memory_space<vmem>>, vector<1x16xi32>,
        %get3A_87 = vector.shape_cast %get3A_86 : vector<1x16xi32> to vector<16xi32>
        %get3A_88 = arith.index_cast %scan3A_63 : i32 to index
        %get3A_89 = arith.index_cast %mul3A_84 : i32 to index
        %get3A_90 = tpu.vector_load %arg6[%get3A_88, %get3A_89] {strides = array<i32>} : memref<16x512xi32, #tpu.memory_space<vmem>>, vector<1x16xi32>,
        %get3A_91 = vector.shape_cast %get3A_90 : vector<1x16xi32> to vector<16xi32>
        %eq3A = arith.cmpi eq, %get3A_87, %get3A_91 : vector<16xi32>
        %jit3A = arith.constant 1 : i32
        %jit3A_92 = arith.constant 0 : i32
        %broadcast_in_dim3A_93 = vector.broadcast %jit3A : i32 to vector<16xi32>
        %broadcast_in_dim3A_94 = vector.broadcast %jit3A_92 : i32 to vector<16xi32>
        %select_n3A = arith.select %eq3A, %broadcast_in_dim3A_93, %broadcast_in_dim3A_94 : vector<16xi1>, vector<16xi32>
        %add3A_95 = arith.addi %scan3A_75, %select_n3A : vector<16xi32>
        %mul3A_96 = arith.constant 4 : i32
        %mul3A_97 = arith.muli %scan3A_74, %mul3A_96 : i32
        %add3A_98 = arith.constant 1 : i32
        %add3A_99 = arith.addi %mul3A_97, %add3A_98 : i32
        %mul3A_100 = arith.constant 16 : i32
        %mul3A_101 = arith.muli %add3A_99, %mul3A_100 : i32
        %get3A_102 = arith.index_cast %scan3A_63 : i32 to index
        %get3A_103 = arith.index_cast %mul3A_101 : i32 to index
        %get3A_104 = tpu.vector_load %arg5[%get3A_102, %get3A_103] {strides = array<i32>} : memref<16x512xi32, #tpu.memory_space<vmem>>, vector<1x16xi32>,
        %get3A_105 = vector.shape_cast %get3A_104 : vector<1x16xi32> to vector<16xi32>
        %get3A_106 = arith.index_cast %scan3A_63 : i32 to index
        %get3A_107 = arith.index_cast %mul3A_101 : i32 to index
        %get3A_108 = tpu.vector_load %arg6[%get3A_106, %get3A_107] {strides = array<i32>} : memref<16x512xi32, #tpu.memory_space<vmem>>, vector<1x16xi32>,
        %get3A_109 = vector.shape_cast %get3A_108 : vector<1x16xi32> to vector<16xi32>
        %eq3A_110 = arith.cmpi eq, %get3A_105, %get3A_109 : vector<16xi32>
        %jit3A_111 = arith.constant 1 : i32
        %jit3A_112 = arith.constant 0 : i32
        %broadcast_in_dim3A_113 = vector.broadcast %jit3A_111 : i32 to vector<16xi32>
        %broadcast_in_dim3A_114 = vector.broadcast %jit3A_112 : i32 to vector<16xi32>
        %select_n3A_115 = arith.select %eq3A_110, %broadcast_in_dim3A_113, %broadcast_in_dim3A_114 : vector<16xi1>, vector<16xi32>
        %add3A_116 = arith.addi %scan3A_76, %select_n3A_115 : vector<16xi32>
        %mul3A_117 = arith.constant 4 : i32
        %mul3A_118 = arith.muli %scan3A_74, %mul3A_117 : i32
        %add3A_119 = arith.constant 2 : i32
        %add3A_120 = arith.addi %mul3A_118, %add3A_119 : i32
        %mul3A_121 = arith.constant 16 : i32
        %mul3A_122 = arith.muli %add3A_120, %mul3A_121 : i32
        %get3A_123 = arith.index_cast %scan3A_63 : i32 to index
        %get3A_124 = arith.index_cast %mul3A_122 : i32 to index
        %get3A_125 = tpu.vector_load %arg5[%get3A_123, %get3A_124] {strides = array<i32>} : memref<16x512xi32, #tpu.memory_space<vmem>>, vector<1x16xi32>,
        %get3A_126 = vector.shape_cast %get3A_125 : vector<1x16xi32> to vector<16xi32>
        %get3A_127 = arith.index_cast %scan3A_63 : i32 to index
        %get3A_128 = arith.index_cast %mul3A_122 : i32 to index
        %get3A_129 = tpu.vector_load %arg6[%get3A_127, %get3A_128] {strides = array<i32>} : memref<16x512xi32, #tpu.memory_space<vmem>>, vector<1x16xi32>,
        %get3A_130 = vector.shape_cast %get3A_129 : vector<1x16xi32> to vector<16xi32>
        %eq3A_131 = arith.cmpi eq, %get3A_126, %get3A_130 : vector<16xi32>
        %jit3A_132 = arith.constant 1 : i32
        %jit3A_133 = arith.constant 0 : i32
        %broadcast_in_dim3A_134 = vector.broadcast %jit3A_132 : i32 to vector<16xi32>
        %broadcast_in_dim3A_135 = vector.broadcast %jit3A_133 : i32 to vector<16xi32>
        %select_n3A_136 = arith.select %eq3A_131, %broadcast_in_dim3A_134, %broadcast_in_dim3A_135 : vector<16xi1>, vector<16xi32>
        %add3A_137 = arith.addi %scan3A_77, %select_n3A_136 : vector<16xi32>
        %mul3A_138 = arith.constant 4 : i32
        %mul3A_139 = arith.muli %scan3A_74, %mul3A_138 : i32
        %add3A_140 = arith.constant 3 : i32
        %add3A_141 = arith.addi %mul3A_139, %add3A_140 : i32
        %mul3A_142 = arith.constant 16 : i32
        %mul3A_143 = arith.muli %add3A_141, %mul3A_142 : i32
        %get3A_144 = arith.index_cast %scan3A_63 : i32 to index
        %get3A_145 = arith.index_cast %mul3A_143 : i32 to index
        %get3A_146 = tpu.vector_load %arg5[%get3A_144, %get3A_145] {strides = array<i32>} : memref<16x512xi32, #tpu.memory_space<vmem>>, vector<1x16xi32>,
        %get3A_147 = vector.shape_cast %get3A_146 : vector<1x16xi32> to vector<16xi32>
        %get3A_148 = arith.index_cast %scan3A_63 : i32 to index
        %get3A_149 = arith.index_cast %mul3A_143 : i32 to index
        %get3A_150 = tpu.vector_load %arg6[%get3A_148, %get3A_149] {strides = array<i32>} : memref<16x512xi32, #tpu.memory_space<vmem>>, vector<1x16xi32>,
        %get3A_151 = vector.shape_cast %get3A_150 : vector<1x16xi32> to vector<16xi32>
        %eq3A_152 = arith.cmpi eq, %get3A_147, %get3A_151 : vector<16xi32>
        %jit3A_153 = arith.constant 1 : i32
        %jit3A_154 = arith.constant 0 : i32
        %broadcast_in_dim3A_155 = vector.broadcast %jit3A_153 : i32 to vector<16xi32>
        %broadcast_in_dim3A_156 = vector.broadcast %jit3A_154 : i32 to vector<16xi32>
        %select_n3A_157 = arith.select %eq3A_152, %broadcast_in_dim3A_155, %broadcast_in_dim3A_156 : vector<16xi1>, vector<16xi32>
        %add3A_158 = arith.addi %scan3A_78, %select_n3A_157 : vector<16xi32>
        %scan3A_159 = arith.constant 1 : i32
        %scan3A_160 = arith.addi %scan3A_74, %scan3A_159 : i32
        %mul3A_161 = arith.constant 4 : i32
        %mul3A_162 = arith.muli %scan3A_160, %mul3A_161 : i32
        %add3A_163 = arith.constant 0 : i32
        %add3A_164 = arith.addi %mul3A_162, %add3A_163 : i32
        %mul3A_165 = arith.constant 16 : i32
        %mul3A_166 = arith.muli %add3A_164, %mul3A_165 : i32
        %get3A_167 = arith.index_cast %scan3A_63 : i32 to index
        %get3A_168 = arith.index_cast %mul3A_166 : i32 to index
        %get3A_169 = tpu.vector_load %arg5[%get3A_167, %get3A_168] {strides = array<i32>} : memref<16x512xi32, #tpu.memory_space<vmem>>, vector<1x16xi32>,
        %get3A_170 = vector.shape_cast %get3A_169 : vector<1x16xi32> to vector<16xi32>
        %get3A_171 = arith.index_cast %scan3A_63 : i32 to index
        %get3A_172 = arith.index_cast %mul3A_166 : i32 to index
        %get3A_173 = tpu.vector_load %arg6[%get3A_171, %get3A_172] {strides = array<i32>} : memref<16x512xi32, #tpu.memory_space<vmem>>, vector<1x16xi32>,
        %get3A_174 = vector.shape_cast %get3A_173 : vector<1x16xi32> to vector<16xi32>
        %eq3A_175 = arith.cmpi eq, %get3A_170, %get3A_174 : vector<16xi32>
        %jit3A_176 = arith.constant 1 : i32
        %jit3A_177 = arith.constant 0 : i32
        %broadcast_in_dim3A_178 = vector.broadcast %jit3A_176 : i32 to vector<16xi32>
        %broadcast_in_dim3A_179 = vector.broadcast %jit3A_177 : i32 to vector<16xi32>
        %select_n3A_180 = arith.select %eq3A_175, %broadcast_in_dim3A_178, %broadcast_in_dim3A_179 : vector<16xi1>, vector<16xi32>
        %add3A_181 = arith.addi %add3A_95, %select_n3A_180 : vector<16xi32>
        %mul3A_182 = arith.constant 4 : i32
        %mul3A_183 = arith.muli %scan3A_160, %mul3A_182 : i32
        %add3A_184 = arith.constant 1 : i32
        %add3A_185 = arith.addi %mul3A_183, %add3A_184 : i32
        %mul3A_186 = arith.constant 16 : i32
        %mul3A_187 = arith.muli %add3A_185, %mul3A_186 : i32
        %get3A_188 = arith.index_cast %scan3A_63 : i32 to index
        %get3A_189 = arith.index_cast %mul3A_187 : i32 to index
        %get3A_190 = tpu.vector_load %arg5[%get3A_188, %get3A_189] {strides = array<i32>} : memref<16x512xi32, #tpu.memory_space<vmem>>, vector<1x16xi32>,
        %get3A_191 = vector.shape_cast %get3A_190 : vector<1x16xi32> to vector<16xi32>
        %get3A_192 = arith.index_cast %scan3A_63 : i32 to index
        %get3A_193 = arith.index_cast %mul3A_187 : i32 to index
        %get3A_194 = tpu.vector_load %arg6[%get3A_192, %get3A_193] {strides = array<i32>} : memref<16x512xi32, #tpu.memory_space<vmem>>, vector<1x16xi32>,
        %get3A_195 = vector.shape_cast %get3A_194 : vector<1x16xi32> to vector<16xi32>
        %eq3A_196 = arith.cmpi eq, %get3A_191, %get3A_195 : vector<16xi32>
        %jit3A_197 = arith.constant 1 : i32
        %jit3A_198 = arith.constant 0 : i32
        %broadcast_in_dim3A_199 = vector.broadcast %jit3A_197 : i32 to vector<16xi32>
        %broadcast_in_dim3A_200 = vector.broadcast %jit3A_198 : i32 to vector<16xi32>
        %select_n3A_201 = arith.select %eq3A_196, %broadcast_in_dim3A_199, %broadcast_in_dim3A_200 : vector<16xi1>, vector<16xi32>
        %add3A_202 = arith.addi %add3A_116, %select_n3A_201 : vector<16xi32>
        %mul3A_203 = arith.constant 4 : i32
        %mul3A_204 = arith.muli %scan3A_160, %mul3A_203 : i32
        %add3A_205 = arith.constant 2 : i32
        %add3A_206 = arith.addi %mul3A_204, %add3A_205 : i32
        %mul3A_207 = arith.constant 16 : i32
        %mul3A_208 = arith.muli %add3A_206, %mul3A_207 : i32
        %get3A_209 = arith.index_cast %scan3A_63 : i32 to index
        %get3A_210 = arith.index_cast %mul3A_208 : i32 to index
        %get3A_211 = tpu.vector_load %arg5[%get3A_209, %get3A_210] {strides = array<i32>} : memref<16x512xi32, #tpu.memory_space<vmem>>, vector<1x16xi32>,
        %get3A_212 = vector.shape_cast %get3A_211 : vector<1x16xi32> to vector<16xi32>
        %get3A_213 = arith.index_cast %scan3A_63 : i32 to index
        %get3A_214 = arith.index_cast %mul3A_208 : i32 to index
        %get3A_215 = tpu.vector_load %arg6[%get3A_213, %get3A_214] {strides = array<i32>} : memref<16x512xi32, #tpu.memory_space<vmem>>, vector<1x16xi32>,
        %get3A_216 = vector.shape_cast %get3A_215 : vector<1x16xi32> to vector<16xi32>
        %eq3A_217 = arith.cmpi eq, %get3A_212, %get3A_216 : vector<16xi32>
        %jit3A_218 = arith.constant 1 : i32
        %jit3A_219 = arith.constant 0 : i32
        %broadcast_in_dim3A_220 = vector.broadcast %jit3A_218 : i32 to vector<16xi32>
        %broadcast_in_dim3A_221 = vector.broadcast %jit3A_219 : i32 to vector<16xi32>
        %select_n3A_222 = arith.select %eq3A_217, %broadcast_in_dim3A_220, %broadcast_in_dim3A_221 : vector<16xi1>, vector<16xi32>
        %add3A_223 = arith.addi %add3A_137, %select_n3A_222 : vector<16xi32>
        %mul3A_224 = arith.constant 4 : i32
        %mul3A_225 = arith.muli %scan3A_160, %mul3A_224 : i32
        %add3A_226 = arith.constant 3 : i32
        %add3A_227 = arith.addi %mul3A_225, %add3A_226 : i32
        %mul3A_228 = arith.constant 16 : i32
        %mul3A_229 = arith.muli %add3A_227, %mul3A_228 : i32
        %get3A_230 = arith.index_cast %scan3A_63 : i32 to index
        %get3A_231 = arith.index_cast %mul3A_229 : i32 to index
        %get3A_232 = tpu.vector_load %arg5[%get3A_230, %get3A_231] {strides = array<i32>} : memref<16x512xi32, #tpu.memory_space<vmem>>, vector<1x16xi32>,
        %get3A_233 = vector.shape_cast %get3A_232 : vector<1x16xi32> to vector<16xi32>
        %get3A_234 = arith.index_cast %scan3A_63 : i32 to index
        %get3A_235 = arith.index_cast %mul3A_229 : i32 to index
        %get3A_236 = tpu.vector_load %arg6[%get3A_234, %get3A_235] {strides = array<i32>} : memref<16x512xi32, #tpu.memory_space<vmem>>, vector<1x16xi32>,
        %get3A_237 = vector.shape_cast %get3A_236 : vector<1x16xi32> to vector<16xi32>
        %eq3A_238 = arith.cmpi eq, %get3A_233, %get3A_237 : vector<16xi32>
        %jit3A_239 = arith.constant 1 : i32
        %jit3A_240 = arith.constant 0 : i32
        %broadcast_in_dim3A_241 = vector.broadcast %jit3A_239 : i32 to vector<16xi32>
        %broadcast_in_dim3A_242 = vector.broadcast %jit3A_240 : i32 to vector<16xi32>
        %select_n3A_243 = arith.select %eq3A_238, %broadcast_in_dim3A_241, %broadcast_in_dim3A_242 : vector<16xi1>, vector<16xi32>
        %add3A_244 = arith.addi %add3A_158, %select_n3A_243 : vector<16xi32>
        scf.yield %add3A_181, %add3A_202, %add3A_223, %add3A_244 : vector<16xi32>, vector<16xi32>, vector<16xi32>, vector<16xi32>
      }
      %scan3A_73 = arith.constant 8 : i32
      scf.yield %scan3A_72#0, %scan3A_72#1, %scan3A_72#2, %scan3A_72#3 : vector<16xi32>, vector<16xi32>, vector<16xi32>, vector<16xi32>
    }
    %scan3A_38 = arith.constant 16 : i32
    %dma_wait3A_39 = arith.constant 0 : i32
    %dma_wait3A_40 = arith.constant 0 : i32
    %dma_wait3A_41 = tpu.memref_slice %arg2[%dma_wait3A_39, %dma_wait3A_40] : memref<4096x512xi32, #tpu.memory_space<hbm>> -> memref<16x512xi32, #tpu.memory_space<hbm>>
    %dma_wait3A_42 = arith.constant 0 : i32
    %dma_wait3A_43 = arith.constant 0 : i32
    %dma_wait3A_44 = tpu.memref_slice %arg2[%dma_wait3A_42, %dma_wait3A_43] : memref<4096x512xi32, #tpu.memory_space<hbm>> -> memref<16x512xi32, #tpu.memory_space<hbm>>
    tpu.wait_dma2 semaphore(%arg12 : memref<!tpu.dma_semaphore, #tpu.memory_space<semaphore_mem>>) src(%dma_wait3A_44 : memref<16x512xi32, #tpu.memory_space<hbm>>) dst(%arg7 : memref<16x512xi32, #tpu.memory_space<vmem>>)
    %dma_wait3A_45 = arith.constant 0 : i32
    %dma_wait3A_46 = arith.constant 0 : i32
    %dma_wait3A_47 = tpu.memref_slice %arg3[%dma_wait3A_45, %dma_wait3A_46] : memref<4096x512xi32, #tpu.memory_space<hbm>> -> memref<16x512xi32, #tpu.memory_space<hbm>>
    %dma_wait3A_48 = arith.constant 0 : i32
    %dma_wait3A_49 = arith.constant 0 : i32
    %dma_wait3A_50 = tpu.memref_slice %arg3[%dma_wait3A_48, %dma_wait3A_49] : memref<4096x512xi32, #tpu.memory_space<hbm>> -> memref<16x512xi32, #tpu.memory_space<hbm>>
    tpu.wait_dma2 semaphore(%arg13 : memref<!tpu.dma_semaphore, #tpu.memory_space<semaphore_mem>>) src(%dma_wait3A_50 : memref<16x512xi32, #tpu.memory_space<hbm>>) dst(%arg8 : memref<16x512xi32, #tpu.memory_space<vmem>>)
    %scan3A_51 = arith.constant 0 : i32
    %scan3A_52 = arith.constant 16 : i32
    %scan3A_53 = arith.addi %scan3A_51, %scan3A_52 : i32
    %scan3A_54 = arith.constant 1 : i32
    %scan3A_55:4 = scf.for %scan3A_63 = %scan3A_51 to %scan3A_53 step %scan3A_54 iter_args(%scan3A_64 = %scan3A_37#0, %scan3A_65 = %scan3A_37#1, %scan3A_66 = %scan3A_37#2, %scan3A_67 = %scan3A_37#3) -> (vector<16xi32>, vector<16xi32>, vector<16xi32>, vector<16xi32>)  : i32 {
      %scan3A_68 = arith.constant 0 : i32
      %scan3A_69 = arith.constant 8 : i32
      %scan3A_70 = arith.addi %scan3A_68, %scan3A_69 : i32
      %scan3A_71 = arith.constant 2 : i32
      %scan3A_72:4 = scf.for %scan3A_74 = %scan3A_68 to %scan3A_70 step %scan3A_71 iter_args(%scan3A_75 = %scan3A_64, %scan3A_76 = %scan3A_65, %scan3A_77 = %scan3A_66, %scan3A_78 = %scan3A_67) -> (vector<16xi32>, vector<16xi32>, vector<16xi32>, vector<16xi32>)  : i32 {
        %mul3A_79 = arith.constant 4 : i32
        %mul3A_80 = arith.muli %scan3A_74, %mul3A_79 : i32
        %add3A_81 = arith.constant 0 : i32
        %add3A_82 = arith.addi %mul3A_80, %add3A_81 : i32
        %mul3A_83 = arith.constant 16 : i32
        %mul3A_84 = arith.muli %add3A_82, %mul3A_83 : i32
        %get3A = arith.index_cast %scan3A_63 : i32 to index
        %get3A_85 = arith.index_cast %mul3A_84 : i32 to index
        %get3A_86 = tpu.vector_load %arg7[%get3A, %get3A_85] {strides = array<i32>} : memref<16x512xi32, #tpu.memory_space<vmem>>, vector<1x16xi32>,
        %get3A_87 = vector.shape_cast %get3A_86 : vector<1x16xi32> to vector<16xi32>
        %get3A_88 = arith.index_cast %scan3A_63 : i32 to index
        %get3A_89 = arith.index_cast %mul3A_84 : i32 to index
        %get3A_90 = tpu.vector_load %arg8[%get3A_88, %get3A_89] {strides = array<i32>} : memref<16x512xi32, #tpu.memory_space<vmem>>, vector<1x16xi32>,
        %get3A_91 = vector.shape_cast %get3A_90 : vector<1x16xi32> to vector<16xi32>
        %eq3A = arith.cmpi eq, %get3A_87, %get3A_91 : vector<16xi32>
        %jit3A = arith.constant 1 : i32
        %jit3A_92 = arith.constant 0 : i32
        %broadcast_in_dim3A_93 = vector.broadcast %jit3A : i32 to vector<16xi32>
        %broadcast_in_dim3A_94 = vector.broadcast %jit3A_92 : i32 to vector<16xi32>
        %select_n3A = arith.select %eq3A, %broadcast_in_dim3A_93, %broadcast_in_dim3A_94 : vector<16xi1>, vector<16xi32>
        %add3A_95 = arith.addi %scan3A_75, %select_n3A : vector<16xi32>
        %mul3A_96 = arith.constant 4 : i32
        %mul3A_97 = arith.muli %scan3A_74, %mul3A_96 : i32
        %add3A_98 = arith.constant 1 : i32
        %add3A_99 = arith.addi %mul3A_97, %add3A_98 : i32
        %mul3A_100 = arith.constant 16 : i32
        %mul3A_101 = arith.muli %add3A_99, %mul3A_100 : i32
        %get3A_102 = arith.index_cast %scan3A_63 : i32 to index
        %get3A_103 = arith.index_cast %mul3A_101 : i32 to index
        %get3A_104 = tpu.vector_load %arg7[%get3A_102, %get3A_103] {strides = array<i32>} : memref<16x512xi32, #tpu.memory_space<vmem>>, vector<1x16xi32>,
        %get3A_105 = vector.shape_cast %get3A_104 : vector<1x16xi32> to vector<16xi32>
        %get3A_106 = arith.index_cast %scan3A_63 : i32 to index
        %get3A_107 = arith.index_cast %mul3A_101 : i32 to index
        %get3A_108 = tpu.vector_load %arg8[%get3A_106, %get3A_107] {strides = array<i32>} : memref<16x512xi32, #tpu.memory_space<vmem>>, vector<1x16xi32>,
        %get3A_109 = vector.shape_cast %get3A_108 : vector<1x16xi32> to vector<16xi32>
        %eq3A_110 = arith.cmpi eq, %get3A_105, %get3A_109 : vector<16xi32>
        %jit3A_111 = arith.constant 1 : i32
        %jit3A_112 = arith.constant 0 : i32
        %broadcast_in_dim3A_113 = vector.broadcast %jit3A_111 : i32 to vector<16xi32>
        %broadcast_in_dim3A_114 = vector.broadcast %jit3A_112 : i32 to vector<16xi32>
        %select_n3A_115 = arith.select %eq3A_110, %broadcast_in_dim3A_113, %broadcast_in_dim3A_114 : vector<16xi1>, vector<16xi32>
        %add3A_116 = arith.addi %scan3A_76, %select_n3A_115 : vector<16xi32>
        %mul3A_117 = arith.constant 4 : i32
        %mul3A_118 = arith.muli %scan3A_74, %mul3A_117 : i32
        %add3A_119 = arith.constant 2 : i32
        %add3A_120 = arith.addi %mul3A_118, %add3A_119 : i32
        %mul3A_121 = arith.constant 16 : i32
        %mul3A_122 = arith.muli %add3A_120, %mul3A_121 : i32
        %get3A_123 = arith.index_cast %scan3A_63 : i32 to index
        %get3A_124 = arith.index_cast %mul3A_122 : i32 to index
        %get3A_125 = tpu.vector_load %arg7[%get3A_123, %get3A_124] {strides = array<i32>} : memref<16x512xi32, #tpu.memory_space<vmem>>, vector<1x16xi32>,
        %get3A_126 = vector.shape_cast %get3A_125 : vector<1x16xi32> to vector<16xi32>
        %get3A_127 = arith.index_cast %scan3A_63 : i32 to index
        %get3A_128 = arith.index_cast %mul3A_122 : i32 to index
        %get3A_129 = tpu.vector_load %arg8[%get3A_127, %get3A_128] {strides = array<i32>} : memref<16x512xi32, #tpu.memory_space<vmem>>, vector<1x16xi32>,
        %get3A_130 = vector.shape_cast %get3A_129 : vector<1x16xi32> to vector<16xi32>
        %eq3A_131 = arith.cmpi eq, %get3A_126, %get3A_130 : vector<16xi32>
        %jit3A_132 = arith.constant 1 : i32
        %jit3A_133 = arith.constant 0 : i32
        %broadcast_in_dim3A_134 = vector.broadcast %jit3A_132 : i32 to vector<16xi32>
        %broadcast_in_dim3A_135 = vector.broadcast %jit3A_133 : i32 to vector<16xi32>
        %select_n3A_136 = arith.select %eq3A_131, %broadcast_in_dim3A_134, %broadcast_in_dim3A_135 : vector<16xi1>, vector<16xi32>
        %add3A_137 = arith.addi %scan3A_77, %select_n3A_136 : vector<16xi32>
        %mul3A_138 = arith.constant 4 : i32
        %mul3A_139 = arith.muli %scan3A_74, %mul3A_138 : i32
        %add3A_140 = arith.constant 3 : i32
        %add3A_141 = arith.addi %mul3A_139, %add3A_140 : i32
        %mul3A_142 = arith.constant 16 : i32
        %mul3A_143 = arith.muli %add3A_141, %mul3A_142 : i32
        %get3A_144 = arith.index_cast %scan3A_63 : i32 to index
        %get3A_145 = arith.index_cast %mul3A_143 : i32 to index
        %get3A_146 = tpu.vector_load %arg7[%get3A_144, %get3A_145] {strides = array<i32>} : memref<16x512xi32, #tpu.memory_space<vmem>>, vector<1x16xi32>,
        %get3A_147 = vector.shape_cast %get3A_146 : vector<1x16xi32> to vector<16xi32>
        %get3A_148 = arith.index_cast %scan3A_63 : i32 to index
        %get3A_149 = arith.index_cast %mul3A_143 : i32 to index
        %get3A_150 = tpu.vector_load %arg8[%get3A_148, %get3A_149] {strides = array<i32>} : memref<16x512xi32, #tpu.memory_space<vmem>>, vector<1x16xi32>,
        %get3A_151 = vector.shape_cast %get3A_150 : vector<1x16xi32> to vector<16xi32>
        %eq3A_152 = arith.cmpi eq, %get3A_147, %get3A_151 : vector<16xi32>
        %jit3A_153 = arith.constant 1 : i32
        %jit3A_154 = arith.constant 0 : i32
        %broadcast_in_dim3A_155 = vector.broadcast %jit3A_153 : i32 to vector<16xi32>
        %broadcast_in_dim3A_156 = vector.broadcast %jit3A_154 : i32 to vector<16xi32>
        %select_n3A_157 = arith.select %eq3A_152, %broadcast_in_dim3A_155, %broadcast_in_dim3A_156 : vector<16xi1>, vector<16xi32>
        %add3A_158 = arith.addi %scan3A_78, %select_n3A_157 : vector<16xi32>
        %scan3A_159 = arith.constant 1 : i32
        %scan3A_160 = arith.addi %scan3A_74, %scan3A_159 : i32
        %mul3A_161 = arith.constant 4 : i32
        %mul3A_162 = arith.muli %scan3A_160, %mul3A_161 : i32
        %add3A_163 = arith.constant 0 : i32
        %add3A_164 = arith.addi %mul3A_162, %add3A_163 : i32
        %mul3A_165 = arith.constant 16 : i32
        %mul3A_166 = arith.muli %add3A_164, %mul3A_165 : i32
        %get3A_167 = arith.index_cast %scan3A_63 : i32 to index
        %get3A_168 = arith.index_cast %mul3A_166 : i32 to index
        %get3A_169 = tpu.vector_load %arg7[%get3A_167, %get3A_168] {strides = array<i32>} : memref<16x512xi32, #tpu.memory_space<vmem>>, vector<1x16xi32>,
        %get3A_170 = vector.shape_cast %get3A_169 : vector<1x16xi32> to vector<16xi32>
        %get3A_171 = arith.index_cast %scan3A_63 : i32 to index
        %get3A_172 = arith.index_cast %mul3A_166 : i32 to index
        %get3A_173 = tpu.vector_load %arg8[%get3A_171, %get3A_172] {strides = array<i32>} : memref<16x512xi32, #tpu.memory_space<vmem>>, vector<1x16xi32>,
        %get3A_174 = vector.shape_cast %get3A_173 : vector<1x16xi32> to vector<16xi32>
        %eq3A_175 = arith.cmpi eq, %get3A_170, %get3A_174 : vector<16xi32>
        %jit3A_176 = arith.constant 1 : i32
        %jit3A_177 = arith.constant 0 : i32
        %broadcast_in_dim3A_178 = vector.broadcast %jit3A_176 : i32 to vector<16xi32>
        %broadcast_in_dim3A_179 = vector.broadcast %jit3A_177 : i32 to vector<16xi32>
        %select_n3A_180 = arith.select %eq3A_175, %broadcast_in_dim3A_178, %broadcast_in_dim3A_179 : vector<16xi1>, vector<16xi32>
        %add3A_181 = arith.addi %add3A_95, %select_n3A_180 : vector<16xi32>
        %mul3A_182 = arith.constant 4 : i32
        %mul3A_183 = arith.muli %scan3A_160, %mul3A_182 : i32
        %add3A_184 = arith.constant 1 : i32
        %add3A_185 = arith.addi %mul3A_183, %add3A_184 : i32
        %mul3A_186 = arith.constant 16 : i32
        %mul3A_187 = arith.muli %add3A_185, %mul3A_186 : i32
        %get3A_188 = arith.index_cast %scan3A_63 : i32 to index
        %get3A_189 = arith.index_cast %mul3A_187 : i32 to index
        %get3A_190 = tpu.vector_load %arg7[%get3A_188, %get3A_189] {strides = array<i32>} : memref<16x512xi32, #tpu.memory_space<vmem>>, vector<1x16xi32>,
        %get3A_191 = vector.shape_cast %get3A_190 : vector<1x16xi32> to vector<16xi32>
        %get3A_192 = arith.index_cast %scan3A_63 : i32 to index
        %get3A_193 = arith.index_cast %mul3A_187 : i32 to index
        %get3A_194 = tpu.vector_load %arg8[%get3A_192, %get3A_193] {strides = array<i32>} : memref<16x512xi32, #tpu.memory_space<vmem>>, vector<1x16xi32>,
        %get3A_195 = vector.shape_cast %get3A_194 : vector<1x16xi32> to vector<16xi32>
        %eq3A_196 = arith.cmpi eq, %get3A_191, %get3A_195 : vector<16xi32>
        %jit3A_197 = arith.constant 1 : i32
        %jit3A_198 = arith.constant 0 : i32
        %broadcast_in_dim3A_199 = vector.broadcast %jit3A_197 : i32 to vector<16xi32>
        %broadcast_in_dim3A_200 = vector.broadcast %jit3A_198 : i32 to vector<16xi32>
        %select_n3A_201 = arith.select %eq3A_196, %broadcast_in_dim3A_199, %broadcast_in_dim3A_200 : vector<16xi1>, vector<16xi32>
        %add3A_202 = arith.addi %add3A_116, %select_n3A_201 : vector<16xi32>
        %mul3A_203 = arith.constant 4 : i32
        %mul3A_204 = arith.muli %scan3A_160, %mul3A_203 : i32
        %add3A_205 = arith.constant 2 : i32
        %add3A_206 = arith.addi %mul3A_204, %add3A_205 : i32
        %mul3A_207 = arith.constant 16 : i32
        %mul3A_208 = arith.muli %add3A_206, %mul3A_207 : i32
        %get3A_209 = arith.index_cast %scan3A_63 : i32 to index
        %get3A_210 = arith.index_cast %mul3A_208 : i32 to index
        %get3A_211 = tpu.vector_load %arg7[%get3A_209, %get3A_210] {strides = array<i32>} : memref<16x512xi32, #tpu.memory_space<vmem>>, vector<1x16xi32>,
        %get3A_212 = vector.shape_cast %get3A_211 : vector<1x16xi32> to vector<16xi32>
        %get3A_213 = arith.index_cast %scan3A_63 : i32 to index
        %get3A_214 = arith.index_cast %mul3A_208 : i32 to index
        %get3A_215 = tpu.vector_load %arg8[%get3A_213, %get3A_214] {strides = array<i32>} : memref<16x512xi32, #tpu.memory_space<vmem>>, vector<1x16xi32>,
        %get3A_216 = vector.shape_cast %get3A_215 : vector<1x16xi32> to vector<16xi32>
        %eq3A_217 = arith.cmpi eq, %get3A_212, %get3A_216 : vector<16xi32>
        %jit3A_218 = arith.constant 1 : i32
        %jit3A_219 = arith.constant 0 : i32
        %broadcast_in_dim3A_220 = vector.broadcast %jit3A_218 : i32 to vector<16xi32>
        %broadcast_in_dim3A_221 = vector.broadcast %jit3A_219 : i32 to vector<16xi32>
        %select_n3A_222 = arith.select %eq3A_217, %broadcast_in_dim3A_220, %broadcast_in_dim3A_221 : vector<16xi1>, vector<16xi32>
        %add3A_223 = arith.addi %add3A_137, %select_n3A_222 : vector<16xi32>
        %mul3A_224 = arith.constant 4 : i32
        %mul3A_225 = arith.muli %scan3A_160, %mul3A_224 : i32
        %add3A_226 = arith.constant 3 : i32
        %add3A_227 = arith.addi %mul3A_225, %add3A_226 : i32
        %mul3A_228 = arith.constant 16 : i32
        %mul3A_229 = arith.muli %add3A_227, %mul3A_228 : i32
        %get3A_230 = arith.index_cast %scan3A_63 : i32 to index
        %get3A_231 = arith.index_cast %mul3A_229 : i32 to index
        %get3A_232 = tpu.vector_load %arg7[%get3A_230, %get3A_231] {strides = array<i32>} : memref<16x512xi32, #tpu.memory_space<vmem>>, vector<1x16xi32>,
        %get3A_233 = vector.shape_cast %get3A_232 : vector<1x16xi32> to vector<16xi32>
        %get3A_234 = arith.index_cast %scan3A_63 : i32 to index
        %get3A_235 = arith.index_cast %mul3A_229 : i32 to index
        %get3A_236 = tpu.vector_load %arg8[%get3A_234, %get3A_235] {strides = array<i32>} : memref<16x512xi32, #tpu.memory_space<vmem>>, vector<1x16xi32>,
        %get3A_237 = vector.shape_cast %get3A_236 : vector<1x16xi32> to vector<16xi32>
        %eq3A_238 = arith.cmpi eq, %get3A_233, %get3A_237 : vector<16xi32>
        %jit3A_239 = arith.constant 1 : i32
        %jit3A_240 = arith.constant 0 : i32
        %broadcast_in_dim3A_241 = vector.broadcast %jit3A_239 : i32 to vector<16xi32>
        %broadcast_in_dim3A_242 = vector.broadcast %jit3A_240 : i32 to vector<16xi32>
        %select_n3A_243 = arith.select %eq3A_238, %broadcast_in_dim3A_241, %broadcast_in_dim3A_242 : vector<16xi1>, vector<16xi32>
        %add3A_244 = arith.addi %add3A_158, %select_n3A_243 : vector<16xi32>
        scf.yield %add3A_181, %add3A_202, %add3A_223, %add3A_244 : vector<16xi32>, vector<16xi32>, vector<16xi32>, vector<16xi32>
      }
      %scan3A_73 = arith.constant 8 : i32
      scf.yield %scan3A_72#0, %scan3A_72#1, %scan3A_72#2, %scan3A_72#3 : vector<16xi32>, vector<16xi32>, vector<16xi32>, vector<16xi32>
    }
    %scan3A_56 = arith.constant 16 : i32
    %add3A_57 = arith.addi %scan3A_55#0, %scan3A_55#1 : vector<16xi32>
    %add3A_58 = arith.addi %add3A_57, %scan3A_55#2 : vector<16xi32>
    %add3A_59 = arith.addi %add3A_58, %scan3A_55#3 : vector<16xi32>
    %swap3A = arith.constant 0 : index
    %swap3A_60 = tpu.vector_load %arg9[%swap3A] {strides = array<i32>} : memref<16xi32, #tpu.memory_space<vmem>>, vector<16xi32>,
    %swap3A_61 = vector.shape_cast %swap3A_60 : vector<16xi32> to vector<16xi32>
    %swap3A_62 = vector.shape_cast %add3A_59 : vector<16xi32> to vector<16xi32>
    tpu.vector_store %arg9[%swap3A], %swap3A_62 {strides = array<i32>} : memref<16xi32, #tpu.memory_space<vmem>>, vector<16xi32>,
    "tpu.region"() ({
      %run_scoped3A = tpu.sem_alloc : memref<!tpu.dma_semaphore, #tpu.memory_space<semaphore_mem>>
      %dma_start3A_63 = arith.constant 0 : i32
      %dma_start3A_64 = tpu.memref_slice %arg4[%add3A, %dma_start3A_63] : memref<32x16xi32, #tpu.memory_space<hbm>> -> memref<1x16xi32, #tpu.memory_space<hbm>>
      %dma_start3A_65 = tpu.memref_squeeze %dma_start3A_64 : memref<1x16xi32, #tpu.memory_space<hbm>> -> memref<16xi32, #tpu.memory_space<hbm>>
      %dma_start3A_66 = arith.constant 0 : i32
      %dma_start3A_67 = tpu.memref_slice %arg4[%add3A, %dma_start3A_66] : memref<32x16xi32, #tpu.memory_space<hbm>> -> memref<1x16xi32, #tpu.memory_space<hbm>>
      %dma_start3A_68 = tpu.memref_squeeze %dma_start3A_67 : memref<1x16xi32, #tpu.memory_space<hbm>> -> memref<16xi32, #tpu.memory_space<hbm>>
      tpu.enqueue_dma source(%arg9 : memref<16xi32, #tpu.memory_space<vmem>>) target(%dma_start3A_68 : memref<16xi32, #tpu.memory_space<hbm>>) target_semaphore(%run_scoped3A : memref<!tpu.dma_semaphore, #tpu.memory_space<semaphore_mem>>)
      %dma_wait3A_69 = arith.constant 0 : i32
      %dma_wait3A_70 = tpu.memref_slice %arg4[%add3A, %dma_wait3A_69] : memref<32x16xi32, #tpu.memory_space<hbm>> -> memref<1x16xi32, #tpu.memory_space<hbm>>
      %dma_wait3A_71 = tpu.memref_squeeze %dma_wait3A_70 : memref<1x16xi32, #tpu.memory_space<hbm>> -> memref<16xi32, #tpu.memory_space<hbm>>
      %dma_wait3A_72 = arith.constant 0 : i32
      %dma_wait3A_73 = tpu.memref_slice %arg4[%add3A, %dma_wait3A_72] : memref<32x16xi32, #tpu.memory_space<hbm>> -> memref<1x16xi32, #tpu.memory_space<hbm>>
      %dma_wait3A_74 = tpu.memref_squeeze %dma_wait3A_73 : memref<1x16xi32, #tpu.memory_space<hbm>> -> memref<16xi32, #tpu.memory_space<hbm>>
      tpu.wait_dma2 semaphore(%run_scoped3A : memref<!tpu.dma_semaphore, #tpu.memory_space<semaphore_mem>>) src(%arg9 : memref<16xi32, #tpu.memory_space<vmem>>) dst(%dma_wait3A_74 : memref<16xi32, #tpu.memory_space<hbm>>)
      tpu.yield
    }) : () -> ()
    return
  }
}

module attributes {stable_mosaic.version = 14 : i64} {
  func.func @body(%arg0: i32, %arg1: memref<1024x512xi32, #tpu.memory_space<vmem>>, %arg2: memref<1024x512xi32, #tpu.memory_space<vmem>>, %arg3: memref<1x512xi32, #tpu.memory_space<vmem>>) attributes {dimension_semantics = [#tpu.dimension_semantics<arbitrary>], iteration_bounds = array<i64: 3>, scalar_prefetch = 0 : i64, scratch_operands = 0 : i64, tpu.core_type = #tpu.core_type<tc>, window_params = [{transform_indices = @transform_0, window_bounds = array<i64: 1024, 512>}, {transform_indices = @transform_1, window_bounds = array<i64: 1024, 512>}, {pipeline_mode = #tpu.pipeline_mode<synchronous>, transform_indices = @transform_2, window_bounds = array<i64: 1, 512>}]} {
    %eq3A = arith.constant 0 : i32
    %eq3A_0 = arith.cmpi eq, %arg0, %eq3A : i32
    %convert_element_type3A = arith.extui %eq3A_0 : i1 to i32
    %cond3A = arith.constant 0 : i32
    %cond3A_1 = arith.cmpi ne, %convert_element_type3A, %cond3A : i32
    scf.if %cond3A_1 {
      %broadcast_in_dim3A_15 = arith.constant 0 : i32
      %broadcast_in_dim3A_16 = vector.broadcast %broadcast_in_dim3A_15 : i32 to vector<1x512xi32>
      %swap3A_17 = arith.constant 0 : index
      %swap3A_18 = arith.constant 0 : index
      %swap3A_19 = vector.load %arg3[%swap3A_17, %swap3A_18] : memref<1x512xi32, #tpu.memory_space<vmem>>, vector<1x512xi32>
      tpu.vector_store %arg3[%swap3A_17, %swap3A_18], %broadcast_in_dim3A_16 {strides = array<i32>} : memref<1x512xi32, #tpu.memory_space<vmem>>, vector<1x512xi32>,
    } else {
    }
    %get3A = arith.constant 0 : index
    %get3A_2 = arith.constant 0 : index
    %get3A_3 = vector.load %arg1[%get3A, %get3A_2] : memref<1024x512xi32, #tpu.memory_space<vmem>>, vector<1024x512xi32>
    %get3A_4 = arith.constant 0 : index
    %get3A_5 = arith.constant 0 : index
    %get3A_6 = vector.load %arg2[%get3A_4, %get3A_5] : memref<1024x512xi32, #tpu.memory_space<vmem>>, vector<1024x512xi32>
    %eq3A_7 = arith.cmpi eq, %get3A_3, %get3A_6 : vector<1024x512xi32>
    %convert_element_type3A_8 = arith.extui %eq3A_7 : vector<1024x512xi1> to vector<1024x512xi32>
    %get3A_9 = arith.constant 0 : index
    %get3A_10 = arith.constant 0 : index
    %get3A_11 = vector.load %arg3[%get3A_9, %get3A_10] : memref<1x512xi32, #tpu.memory_space<vmem>>, vector<1x512xi32>
    %reduce_sum3A = arith.constant dense<0> : vector<512xi32>
    %reduce_sum3A_12 = vector.multi_reduction <add>, %convert_element_type3A_8, %reduce_sum3A [0] : vector<1024x512xi32> to vector<512xi32>
    %broadcast_in_dim3A = vector.shape_cast %reduce_sum3A_12 : vector<512xi32> to vector<1x512xi32>
    %add3A = arith.addi %get3A_11, %broadcast_in_dim3A : vector<1x512xi32>
    %swap3A = arith.constant 0 : index
    %swap3A_13 = arith.constant 0 : index
    %swap3A_14 = vector.load %arg3[%swap3A, %swap3A_13] : memref<1x512xi32, #tpu.memory_space<vmem>>, vector<1x512xi32>
    tpu.vector_store %arg3[%swap3A, %swap3A_13], %add3A {strides = array<i32>} : memref<1x512xi32, #tpu.memory_space<vmem>>, vector<1x512xi32>,
    return
  }
  func.func @transform_0(%arg0: i32) -> (i32, i32) {
    %add3A = arith.constant 1 : i32
    %add3A_0 = arith.addi %arg0, %add3A : i32
    %c0_i32 = arith.constant 0 : i32
    %c0_i32_1 = arith.constant 0 : i32
    return %add3A_0, %c0_i32 : i32, i32
  }
  func.func @transform_1(%arg0: i32) -> (i32, i32) {
    %add3A = arith.constant 1 : i32
    %add3A_0 = arith.addi %arg0, %add3A : i32
    %c0_i32 = arith.constant 0 : i32
    %c0_i32_1 = arith.constant 0 : i32
    return %add3A_0, %c0_i32 : i32, i32
  }
  func.func @transform_2(%arg0: i32) -> (i32, i32) {
    %c0_i32 = arith.constant 0 : i32
    %c0_i32_0 = arith.constant 0 : i32
    %c0_i32_1 = arith.constant 0 : i32
    return %c0_i32, %c0_i32_0 : i32, i32
  }
}

</mosaic_0001>

<sc_bundles>
// kernel: kernel.4.cloned.1.call-start
scs
__scs_entry_jumppad:
0x0: {  	(pc) =	sbr.rel $0x88, $3  }
0x1: {  	(tag) =	ssettag $0x0;
	lr =	simm.s32 $0x1  }
0x2: {  	[smem:$0x3F9F] =	sst lr;
	_ =	strace $0xD0000000  }
0x3: {  	_ = 	snop  }
0x4: {  	_ = 	snop  }
0x5: {  	_ = 	snop  }
0x6: {  	_ = 	snop  }
0x7: {  	_ = 	snop  }
__scs_overlays_trampoline_lowered:
0x8: {  	[smem:$0x3FAE] =	sst s0  }
0x9: {  	[smem:$0x3FAF] =	sst s1  }
0xa: {  	[smem:$0x3FB0] =	sst s2  }
0xb: {  	[smem:$0x3FB1] =	sst s3  }
0xc: {  	[smem:$0x3FB2] =	sst s4  }
0xd: {  	[smem:$0x3FB3] =	sst s5  }
0xe: {  	[smem:$0x3FB4] =	sst s6  }
0xf: {  	[smem:$0x3FB5] =	sst s7  }
0x10: {  	[smem:$0x3FB6] =	sst s8  }
0x11: {  	[smem:$0x3FB7] =	sst s9;
	s0 =	simm.s32 @!p0 $0x0  }
0x12: {  	s1 =	sld [smem:$0x3F9D];
	s0 =	simm.s32 @p0 $0x1  }
0x13: {  	[smem:$0x3FB8] =	sst s0;
	s0 =	simm.s32 @!p1 $0x0  }
0x14: {  	s2 =	sld [smem:$0x3F9C];
	s0 =	simm.s32 @p1 $0x1  }
0x15: {  	[smem:$0x3FB9] =	sst s0;
	s0 =	simm.s32 @!p2 $0x0  }
0x16: {  	s3 =	sld [smem:$0x3FDB];
	s0 =	simm.s32 @p2 $0x1  }
0x17: {  	s4 =	simm.s32 $0x1BF5;
	[smem:$0x3FBB] =	sst s0  }
0x18: {  	s0 =	sld [smem:$0x3F9E];
	_ =	swait.ge [sflag:s4], $0x0  }
0x19: {  	s7 =	sld [smem:$0x3F9F]  }
0x1a: {  	s8 =	sadd.s32 $0xFFFFE003, lr  }
0x1b: {  	s9 =	sadd.s32 $0xFFFFFEF7, lr;
	s5 =	simm.s32 $0xFFFFFFFF;
	p2 =	slt.u32 s8, $0xFFFFF086  }
0x1c: {  	p1 =	slt.u32 s9, $0xF7A;
	s5 =	simm.s32 @!p2 $0x0  }
0x1d: {  	s5 =	simm.s32 @p1 $0x1;
	p0 =	seq.s32 s7, s2  }
0x1e: {  	s7 =	smul.u32 @!p0 $0xF7A, s2;
	p2 =	seq.s32 @!p0 s5, $0x0  }
0x1f: {  	s9 =	smul.u32 $0xF7A, s1;
	s8 =	simm.s32 @!p0 $0x1BF5;
	p2 =	por !p2, p0  }
0x20: {  	[sflag:s8] =	ssyncset.s32 @!p0 $0xFFFFF086;
	s6 =	sadd.s32 @!p0 s3, s7;
	s7 =	simm.s32 @!p0 $0x108  }
0x21: {  	s3 =	sadd.s32 s3, s9;
	s6 =	sadd.s32 @!p0 $0x88, s6;
	s7 =	simm.s32 @p2 $0x1082  }
0x22: {  	[simem:s7], [sflag:s8] =	dma.local @!p0 [hbm:s6], $0xF7A  }
0x23: {  	s9 =	sor.u32 $0xD0000000, s2;
	s6 =	simm.s32 $0x108;
	_ =	swait.ge @!p0 [sflag:s8], $0x0  }
0x24: {  	s3 =	sadd.s32 $0x88, s3;
	s6 =	simm.s32 @!p1 $0x1082;
	[sflag:s4] =	ssyncset.s32 $0xFFFFF086  }
0x25: {  	[simem:s6], [sflag:s4] =	dma.local [hbm:s3], $0xF7A  }
0x26: {  	[smem:$0x3F9F] =	sst s1;
	(tag) =	ssettag s2;
	_ =	strace s9  }
0x27: {  	s1 =	sld [smem:$0x3FAF]  }
0x28: {  	s2 =	sld [smem:$0x3FB0]  }
0x29: {  	s4 =	sld [smem:$0x3FB2]  }
0x2a: {  	p0 =	seq.s32 s5, $0x0;
	s5 =	sld [smem:$0x3FB3]  }
0x2b: {  	s6 =	sld [smem:$0x3FB4]  }
0x2c: {  	s7 =	sld [smem:$0x3FB5]  }
0x2d: {  	s3 =	simm.s32 $0x108;
	s8 =	sld [smem:$0x3FB6]  }
0x2e: {  	s3 =	simm.s32 @!p0 $0x1082;
	s9 =	sld [smem:$0x3FB7]  }
0x2f: {  	lr =	sadd.s32 s0, s3;
	s0 =	sld [smem:$0x3FAE]  }
0x30: {  	s3 =	sld [smem:$0x3FB1]  }
0x31: {  	[smem:$0x3FBA] =	sst s10  }
0x32: {  	s10 =	sld [smem:$0x3FB8];
	_ =	sdelay $0x3  }
0x33: {  	p0 =	seq.s32 s10, $0x1;
	s10 =	sld [smem:$0x3FBA];
	_ =	sdelay $0x3  }
0x34: {  	[smem:$0x3FBA] =	sst s10  }
0x35: {  	s10 =	sld [smem:$0x3FB9];
	_ =	sdelay $0x3  }
0x36: {  	p1 =	seq.s32 s10, $0x1;
	s10 =	sld [smem:$0x3FBA];
	_ =	sdelay $0x3  }
0x37: {  	[smem:$0x3FBA] =	sst s10  }
0x38: {  	s10 =	sld [smem:$0x3FBB]  }
0x39: {  	_ = 	snop;
	(pc) =	sbr.ind lr, $3  }
0x3a: {  	_ = 	snop  }
0x3b: {  	_ = 	snop  }
0x3c: {  	p2 =	seq.s32 s10, $0x1;
	s10 =	sld [smem:$0x3FBA]  }
0x3d: {  	_ =	shalt  }
0x3e: {  	_ =	shalt  }
0x3f: {  	_ =	shalt  }
0x40: {  	_ =	shalt  }
0x41: {  	_ =	shalt  }
0x42: {  	_ =	shalt  }
0x43: {  	_ =	shalt  }
0x44: {  	_ =	shalt  }
0x45: {  	_ =	shalt  }
0x46: {  	_ =	shalt  }
0x47: {  	_ =	shalt  }
0x48: {  	_ =	shalt  }
0x49: {  	_ =	shalt  }
0x4a: {  	_ =	shalt  }
0x4b: {  	_ =	shalt  }
0x4c: {  	_ =	shalt  }
0x4d: {  	_ =	shalt  }
0x4e: {  	_ =	shalt  }
0x4f: {  	_ =	shalt  }
0x50: {  	_ =	shalt  }
0x51: {  	_ =	shalt  }
0x52: {  	_ =	shalt  }
0x53: {  	_ =	shalt  }
0x54: {  	_ =	shalt  }
0x55: {  	_ =	shalt  }
0x56: {  	_ =	shalt  }
0x57: {  	_ =	shalt  }
0x58: {  	_ =	shalt  }
0x59: {  	_ =	shalt  }
0x5a: {  	_ =	shalt  }
0x5b: {  	_ =	shalt  }
0x5c: {  	_ =	shalt  }
0x5d: {  	_ =	shalt  }
0x5e: {  	_ =	shalt  }
0x5f: {  	_ =	shalt  }
0x60: {  	_ =	shalt  }
0x61: {  	_ =	shalt  }
0x62: {  	_ =	shalt  }
0x63: {  	_ =	shalt  }
0x64: {  	_ =	shalt  }
0x65: {  	_ =	shalt  }
0x66: {  	_ =	shalt  }
0x67: {  	_ =	shalt  }
0x68: {  	_ =	shalt  }
0x69: {  	_ =	shalt  }
0x6a: {  	_ =	shalt  }
0x6b: {  	_ =	shalt  }
0x6c: {  	_ =	shalt  }
0x6d: {  	_ =	shalt  }
0x6e: {  	_ =	shalt  }
0x6f: {  	_ =	shalt  }
0x70: {  	_ =	shalt  }
0x71: {  	_ =	shalt  }
0x72: {  	_ =	shalt  }
0x73: {  	_ =	shalt  }
0x74: {  	_ =	shalt  }
0x75: {  	_ =	shalt  }
0x76: {  	_ =	shalt  }
0x77: {  	_ =	shalt  }
0x78: {  	_ =	shalt  }
0x79: {  	_ =	shalt  }
0x7a: {  	_ =	shalt  }
0x7b: {  	_ =	shalt  }
0x7c: {  	_ =	shalt  }
0x7d: {  	_ =	shalt  }
0x7e: {  	_ =	shalt  }
0x7f: {  	_ =	shalt  }
0x80: {  	_ =	shalt  }
0x81: {  	_ =	shalt  }
0x82: {  	_ =	shalt  }
0x83: {  	_ =	shalt  }
0x84: {  	_ =	shalt  }
0x85: {  	_ =	shalt  }
0x86: {  	_ =	shalt  }
0x87: {  	_ =	shalt  }
.Lfunc_end0:
.L_simem_size_0:
called_computation_lowered:
.L_overlay_start_0:
0x88: {  	s2 =	sld [smem:$0x3FD9]  }
0x89: {  	s3 =	sld [smem:$0x3FFE];
	_ =	sdelay $0x1  }
0x8a: {  	s1 =	srdreg.scid  }
0x8b: {  	s0 =	sand.u32 $0x1, s1  }
0x8c: {  	s17 =	sshll.u32 s0, $0xA;
	s2 =	sadd.s32 s3, s2  }
0x8d: {  	s2 =	sadd.s32 s2, s17  }
0x8e: {  	[smem:$0x3FC6] =	sst s2  }
0x8f: {  	_ = 	snop  }
0x90: {  	s2 =	sld [smem:$0x3FC9]  }
0x91: {  	s18 =	sld [smem:$0x3FC8];
	(tm) =	ssettm $0x1  }
0x92: {  	s4 =	sld [smem:$0x3FFB];
	_ =	sdelay $0x3  }
0x93: {  	_ =	strace s4  }
0x94: {  	s4 =	sld [smem:$0x3FFC];
	_ =	sdelay $0x3  }
0x95: {  	_ =	strace s4  }
0x96: {  	s4 =	sld [smem:$0x3FFD];
	_ =	sdelay $0x3  }
0x97: {  	_ =	strace s4  }
0x98: {  	_ =	strace $0x8FFFFFFF  }
0x99: {  	s19 =	sld [smem:$0x3FDB];
	_ =	sdelay $0x1  }
0x9a: {  	s5 =	simm.s32 $_scs_section_size  }
0x9b: {  	s6 =	simm.s32 $_size__tile_overlayer_lowered;
	s7 =	simm.s32 $_tile_overlayer_lowered  }
0x9c: {  	s22 =	simm.s32 $0x1BFF;
	s21 =	sshll.u32 s7, $0x1;
	s4 =	sadd.s32 s5, s19  }
0x9d: {  	s8 =	simm.s32 $0x0;
	s20 =	sshll.u32 s6, $0x1;
	s6 =	sadd.s32 s21, s4  }
0x9e: {  	[timem:s8], [sflag:s22] =	dma.local [hbm:s6], s20  }
0x9f: {  	_ =	swait.ge [sflag:s22], s20  }
0xa0: {  	s5 =	ssub.s32 $0x0, s20;
	[sflag:s22] =	ssyncset.done $0x0  }
0xa1: {  	[sflag:s22] =	ssyncadd.s32 s5;
	_ =	sdelay $0x1  }
0xa2: {  	s23 =	simm.s32 $0x1B8B  }
0xa3: {  	_ =	swait.ge [sflag:s23], $0x1  }
0xa4: {  	[sflag:s23] =	ssyncset.done $0x0  }
0xa5: {  	s25 =	simm.s32 $0x1B8E;
	s24 =	sld [smem:$0x3FFE];
	[sflag:s23] =	ssyncadd.s32 $0xFFFFFFFF  }
0xa6: {  	s26 =	simm.s32 $execute0_lowered;
	[smem:$0x3FD2] =	sst s25  }
0xa7: {  	s6 =	sshll.u32 s26, $0x1;
	_ =	strace $0x80000046;
	[dreg:$0x1] =	wrdreg $0xFFFFFFFF  }
0xa8: {  	s28 =	simm.s32 $_size_execute0_lowered;
	s4 =	sadd.s32 s4, s6;
	[dreg:$0x0] =	wrdreg $0x0  }
0xa9: {  	s6 =	sshll.u32 s28, $0x1;
	[dreg:$0x2] =	wrdreg s4  }
0xaa: {  	[dreg:$0x3] =	wrdreg s6  }
0xab: {  	[dreg:$0x4] =	wrdreg $0xC0  }
0xac: {  	_ =	task [dreg:s8], $0x5FFFF  }
0xad: {  	[dreg:$0x1] =	wrdreg $0xFFFFFFFF  }
0xae: {  	[dreg:$0x0] =	wrdreg $0x60  }
0xaf: {  	[dreg:$0x2] =	wrdreg s2  }
0xb0: {  	[dreg:$0x3] =	wrdreg s18  }
0xb1: {  	[dreg:$0x4] =	wrdreg s24  }
0xb2: {  	[dreg:$0x5] =	wrdreg $0x9  }
0xb3: {  	_ =	task.clear_ibuf [dreg:s8], $0x6FFFF;
	_ =	strace $0x90000046  }
0xb4: {  	s29 =	simm.s32 $0x9;
	_ =	strace $0x80000048  }
0xb5: {  	_ =	swait.ge [sflag:s29], $0x1  }
0xb6: {  	[sflag:s29] =	ssyncadd.s32 $0xFFFFFFFF  }
0xb7: {  	_ =	strace $0x90000048  }
0xb8: {  	_ =	sfence  }
0xb9: {  	s30 =	sld [smem:$0x0];
	_ =	sdelay $0x2  }
0xba: {  	s31 =	sshll.u32 s1, $0xD;
	s1 =	sshrl.u32 s1, $0x2  }
0xbb: {  	s3 =	sand.u32 $0x4000, s31;
	s1 =	sadd.s32 s1, s30  }
0xbc: {  	s0 =	sor.u32 s3, s0;
	s1 =	sshll.u32 s1, $0x11  }
0xbd: {  	s0 =	sor.u32 s1, s0  }
0xbe: {  	s0 =	sadd.s32 $0x8F2B, s0  }
0xbf: {  	[sflag:s0] =	ssyncadd.remote.s32 $0x1  }
0xc0: {  	_ =	sfence.sel $0xFFFF  }
0xc1: {  	[dreg:$0x0] =	wrdreg $0xFFFFFFFF;
	(pc) =	sbr.abs _section_cstart, $3  }
0xc2: {  	[dreg:$0x1] =	wrdreg $0xFFFFFFFF  }
0xc3: {  	_ =	task.clear_ibuf [dreg:s8], $0x2FFFF;
	_ =	strace $0x9FFFFFFF  }
0xc4: {  	(tm) =	ssettm $0x7FFFFFFF  }
0xc5: {  	_ =	shalt  }
tec
execute0_lowered:
.L_overlay_start_1:
0x0: {  	(tag) =	ssettag $0x1  }
0x1: {  	s5 =	rddreg [dreg:$0x0]  }
0x2: {  	s6 =	rddreg [dreg:$0x1]  }
0x3: {  	s7 =	rddreg [dreg:$0x2];
	s2 =	srdreg.scid  }
0x4: {  	s0 =	rddreg [dreg:$0x3];
	s1 =	stileid.u32;
	s11 =	simm.s32 $0x6000  }
0x5: {  	s12 =	simm.s32 $0x1;
	s13 =	simm.s32 $0x2;
	s14 =	simm.s32 $0x3  }
0x6: {  	s15 =	simm.s32 $0x4;
	s16 =	simm.s32 $0x8000;
	s17 =	simm.s32 $0x5  }
0x7: {  	s18 =	simm.s32 $0x0;
	s3 =	sand.u32 $0x1, s2;
	s2 =	simm.s32 $0x0  }
0x8: {  	s8 =	sshll.u32 s1, $0x1;
	s4 =	ssub.s32 $0x2, s3;
	[smem:$0x7FF] =	sst s2  }
0x9: {  	s8 =	sor.u32 s3, s8;
	s9 =	sshrl.u32 s4, $0x1;
	_ =	strace $0x80000047  }
0xa: {  	s10 =	sshll.u32 s8, $0xB;
	s8 =	sshll.u32 s8, $0x4;
	s9 =	ssub.s32 s4, s9  }
0xb: {  	s3 =	sadd.s32 s5, s10;
	s4 =	sadd.s32 s6, s10;
	s10 =	sor.u32 $0x400, s10  }
0xc: {  	s7 =	sadd.s32 s7, s8;
	s5 =	sadd.s32 s5, s10;
	s6 =	sadd.s32 s6, s10  }
0xd: {  	v0 =	vimm.s32 $0x0;
	s8 =	smax.u32 s9, $0x1;
	s9 =	simm.s32 $0x2000;
	s10 =	simm.s32 $0x4000  }
.LBB2_1:
0xe: {  	[tilespmem:s2], [sflag:$0x1] =	stream.linear.gather [hbm4b:s3+s2], $0x2000, $0x38;
	[tilespmem:$0x8080] =	vst v63  }
0xf: {  	_ = 	snop  }
0x10: {  	[tilespmem:s9], [sflag:$0x2] =	stream.linear.gather [hbm4b:s4+s2], $0x2000, $0x38;
	[tilespmem:$0x8080] =	vst v63  }
0x11: {  	_ = 	snop  }
0x12: {  	[tilespmem:s10], [sflag:$0x3] =	stream.linear.gather [hbm4b:s5+s2], $0x2000, $0x38;
	[tilespmem:$0x8080] =	vst v63  }
0x13: {  	_ = 	snop  }
0x14: {  	[tilespmem:s11], [sflag:$0x4] =	stream.linear.gather [hbm4b:s6+s2], $0x2000, $0x38;
	[tilespmem:$0x8080] =	vst v63  }
0x15: {  	_ =	swait.ge [sflag:s12], $0x2000  }
0x16: {  	[sflag:s12] =	ssyncset.done $0x0  }
0x17: {  	[sflag:s12] =	ssyncadd.s32 $0xFFFFE000  }
0x18: {  	_ =	swait.ge [sflag:s13], $0x2000  }
0x19: {  	v1 =	vimm.s32 $0x0;
	[sflag:s13] =	ssyncset.done $0x0  }
0x1a: {  	s19 =	simm.s32 $0x0;
	v2 =	vimm.s32 $0x0;
	v3 =	vimm.s32 $0x0;
	v4 =	vimm.s32 $0x0;
	s20 =	simm.s32 $0x0;
	[sflag:s13] =	ssyncadd.s32 $0xFFFFE000  }
.LBB2_2:
0x1b: {  	s21 =	sshll.u32 s20, $0xB;
	s22 =	sand.u32 $0x7, s19  }
0x1c: {  	s21 =	sand.u32 $0xFFFFC000, s21;
	s22 =	sshll.u32 s22, $0x9  }
0x1d: {  	s21 =	sor.u32 s22, s21  }
0x1e: {  	s21 =	sshrl.u32 s21, $0x2  }
0x1f: {  	s23 =	sadd.s32 $0x2040, s21  }
0x20: {  	v5 =	vld [tilespmem:s23+$0x20]  }
0x21: {  	s21 =	sor.u32 $0x40, s21;
	v11 =	vld [tilespmem:s23+$0x30]  }
0x22: {  	v12 =	vld [tilespmem:s21+$0x30]  }
0x23: {  	v14 =	vld [tilespmem:s21+$0x0]  }
0x24: {  	v9 =	vld [tilespmem:s21+$0xFFFFFFC0]  }
0x25: {  	v15 =	vld [tilespmem:s23+$0x0]  }
0x26: {  	v6 =	vld [tilespmem:s23+$0x10]  }
0x27: {  	v13 =	vld [tilespmem:s23+$0xFFFFFFC0]  }
0x28: {  	v16 =	vld [tilespmem:s21+$0xFFFFFFD0]  }
0x29: {  	v17 =	vld [tilespmem:s23+$0xFFFFFFD0]  }
0x2a: {  	v7 =	vld [tilespmem:s21+$0xFFFFFFE0]  }
0x2b: {  	v8 =	vld [tilespmem:s23+$0xFFFFFFF0]  }
0x2c: {  	v10 =	vld [tilespmem:s21+$0x20]  }
0x2d: {  	vm1 =	veq.s32 v9, v13;
	v9 =	vld [tilespmem:s21+$0x10]  }
0x2e: {  	vm0 =	veq.s32 v12, v11;
	v11 =	vld [tilespmem:s21+$0xFFFFFFF0];
	v12 =	vsel vm1, $0x1, v0;
	vm1 =	veq.s32 v16, v17  }
0x2f: {  	s22 =	simm.s32 $0x0;
	v4 =	vadd.s32 v12, v4;
	v13 =	vsel vm1, $0x1, v0;
	v12 =	vld [tilespmem:s23+$0xFFFFFFE0];
	vm1 =	veq.s32 v14, v15;
	s23 =	sadd.s32 $0x400, s23  }
.LBB2_3:
0x30: {  	v14 =	vld [tilespmem:s23+$0x20];
	s22 =	sadd.s32 $0x2, s22;
	v15 =	vsel vm1, $0x1, v0;
	s21 =	sadd.s32 $0x400, s21  }
0x31: {  	v16 =	vld [tilespmem:s23+$0x30];
	p0 =	slt.u32 s22, $0x6;
	v4 =	vadd.s32 v15, v4;
	vm1 =	veq.s32 v10, v5  }
0x32: {  	v3 =	vadd.s32 v13, v3;
	v10 =	vld [tilespmem:s21+$0x30];
	vm2 =	veq.s32 v9, v6  }
0x33: {  	v15 =	vld [tilespmem:s21+$0x0];
	vm3 =	veq.s32 v11, v8;
	v13 =	vsel vm2, $0x1, v0;
	v8 =	vsel vm0, $0x1, v0  }
0x34: {  	v9 =	vld [tilespmem:s21+$0xFFFFFFC0];
	vm0 =	veq.s32 v7, v12;
	v6 =	vsel vm3, $0x1, v0;
	v3 =	vadd.s32 v13, v3  }
0x35: {  	v11 =	vsel vm1, $0x1, v0;
	v17 =	vld [tilespmem:s23+$0x0];
	v7 =	vsel vm0, $0x1, v0;
	v1 =	vadd.s32 v6, v1;
	v5 =	vmovc v14  }
0x36: {  	v6 =	vld [tilespmem:s23+$0x10];
	v2 =	vadd.s32 v7, v2;
	v1 =	vadd.s32 v8, v1  }
0x37: {  	v12 =	vld [tilespmem:s23+$0xFFFFFFC0];
	vm0 =	veq.s32 v10, v16;
	v2 =	vadd.s32 v11, v2  }
0x38: {  	v11 =	vld [tilespmem:s21+$0xFFFFFFD0]  }
0x39: {  	v13 =	vld [tilespmem:s23+$0xFFFFFFD0]  }
0x3a: {  	v7 =	vld [tilespmem:s21+$0xFFFFFFE0]  }
.Ltmp0:
0x3b: {  	v8 =	vld [tilespmem:s23+$0xFFFFFFF0];
	(pc) =	sbr.rel @p0 .LBB2_3-.Ltmp0, $4  }
0x3c: {  	v10 =	vld [tilespmem:s21+$0x20]  }
0x3d: {  	vm1 =	veq.s32 v9, v12;
	v9 =	vld [tilespmem:s21+$0x10]  }
0x3e: {  	v12 =	vsel vm1, $0x1, v0;
	vm1 =	veq.s32 v11, v13;
	v11 =	vld [tilespmem:s21+$0xFFFFFFF0]  }
0x3f: {  	v4 =	vadd.s32 v12, v4;
	v13 =	vsel vm1, $0x1, v0;
	v12 =	vld [tilespmem:s23+$0xFFFFFFE0];
	vm1 =	veq.s32 v15, v17;
	s23 =	sadd.s32 $0x400, s23  }
0x40: {  	_ = 	snop  }
0x41: {  	s20 =	sadd.s32 $0x1, s20  }
0x42: {  	v14 =	vsel vm1, $0x1, v0;
	v3 =	vadd.s32 v13, v3;
	p0 =	sne.s32 s20, $0x10  }
.Ltmp1:
0x43: {  	v4 =	vadd.s32 v14, v4;
	vm14 =	veq.s32 v10, v5;
	vm2 =	veq.s32 v9, v6;
	(pc) =	sbr.rel @p0 .LBB2_2-.Ltmp1, $4  }
0x44: {  	v6 =	vsel vm0, $0x1, v0;
	vm3 =	veq.s32 v11, v8;
	vm15 =	veq.s32 v7, v12  }
0x45: {  	v5 =	vsel vm2, $0x1, v0;
	v7 =	vsel vm3, $0x1, v0;
	v63 =	vsel vm15, $0x1, v0  }
0x46: {  	v1 =	vadd.s32 v7, v1;
	v7 =	vsel vm14, $0x1, v0;
	v2 =	vadd.s32 v63, v2  }
0x47: {  	s19 =	sadd.s32 $0x1, s19;
	v3 =	vadd.s32 v5, v3;
	v1 =	vadd.s32 v6, v1;
	v2 =	vadd.s32 v7, v2  }
0x48: {  	_ =	swait.ge [sflag:s14], $0x2000  }
0x49: {  	[sflag:s14] =	ssyncset.done $0x0  }
0x4a: {  	[sflag:s14] =	ssyncadd.s32 $0xFFFFE000  }
0x4b: {  	_ =	swait.ge [sflag:s15], $0x2000  }
0x4c: {  	[sflag:s15] =	ssyncset.done $0x0  }
0x4d: {  	s19 =	simm.s32 $0x0;
	s20 =	simm.s32 $0x0;
	[sflag:s15] =	ssyncadd.s32 $0xFFFFE000  }
.LBB2_6:
0x4e: {  	s21 =	sshll.u32 s20, $0xB;
	s22 =	sand.u32 $0x7, s19  }
0x4f: {  	s21 =	sand.u32 $0xFFFFC000, s21;
	s22 =	sshll.u32 s22, $0x9  }
0x50: {  	s21 =	sor.u32 s22, s21  }
0x51: {  	s21 =	sshrl.u32 s21, $0x2  }
0x52: {  	s23 =	sadd.s32 $0x6040, s21  }
0x53: {  	v5 =	vld [tilespmem:s23+$0x20]  }
0x54: {  	s21 =	sadd.s32 $0x4040, s21;
	v11 =	vld [tilespmem:s23+$0x30]  }
0x55: {  	v12 =	vld [tilespmem:s21+$0x30]  }
0x56: {  	v14 =	vld [tilespmem:s21+$0x0]  }
0x57: {  	v9 =	vld [tilespmem:s21+$0xFFFFFFC0]  }
0x58: {  	v15 =	vld [tilespmem:s23+$0x0]  }
0x59: {  	v6 =	vld [tilespmem:s23+$0x10]  }
0x5a: {  	v13 =	vld [tilespmem:s23+$0xFFFFFFC0]  }
0x5b: {  	v16 =	vld [tilespmem:s21+$0xFFFFFFD0]  }
0x5c: {  	v17 =	vld [tilespmem:s23+$0xFFFFFFD0]  }
0x5d: {  	v7 =	vld [tilespmem:s21+$0xFFFFFFE0]  }
0x5e: {  	v8 =	vld [tilespmem:s23+$0xFFFFFFF0]  }
0x5f: {  	v10 =	vld [tilespmem:s21+$0x20]  }
0x60: {  	vm1 =	veq.s32 v9, v13;
	v9 =	vld [tilespmem:s21+$0x10]  }
0x61: {  	vm0 =	veq.s32 v12, v11;
	v11 =	vld [tilespmem:s21+$0xFFFFFFF0];
	v12 =	vsel vm1, $0x1, v0;
	vm1 =	veq.s32 v16, v17  }
0x62: {  	s22 =	simm.s32 $0x0;
	v4 =	vadd.s32 v12, v4;
	v13 =	vsel vm1, $0x1, v0;
	v12 =	vld [tilespmem:s23+$0xFFFFFFE0];
	vm1 =	veq.s32 v14, v15;
	s23 =	sadd.s32 $0x400, s23  }
.LBB2_7:
0x63: {  	v14 =	vld [tilespmem:s23+$0x20];
	s22 =	sadd.s32 $0x2, s22;
	v15 =	vsel vm1, $0x1, v0;
	s21 =	sadd.s32 $0x400, s21  }
0x64: {  	v16 =	vld [tilespmem:s23+$0x30];
	p0 =	slt.u32 s22, $0x6;
	v4 =	vadd.s32 v15, v4;
	vm1 =	veq.s32 v10, v5  }
0x65: {  	v3 =	vadd.s32 v13, v3;
	v10 =	vld [tilespmem:s21+$0x30];
	vm2 =	veq.s32 v9, v6  }
0x66: {  	v15 =	vld [tilespmem:s21+$0x0];
	vm3 =	veq.s32 v11, v8;
	v13 =	vsel vm2, $0x1, v0;
	v8 =	vsel vm0, $0x1, v0  }
0x67: {  	v9 =	vld [tilespmem:s21+$0xFFFFFFC0];
	vm0 =	veq.s32 v7, v12;
	v6 =	vsel vm3, $0x1, v0;
	v3 =	vadd.s32 v13, v3  }
0x68: {  	v11 =	vsel vm1, $0x1, v0;
	v17 =	vld [tilespmem:s23+$0x0];
	v7 =	vsel vm0, $0x1, v0;
	v1 =	vadd.s32 v6, v1;
	v5 =	vmovc v14  }
0x69: {  	v6 =	vld [tilespmem:s23+$0x10];
	v2 =	vadd.s32 v7, v2;
	v1 =	vadd.s32 v8, v1  }
0x6a: {  	v12 =	vld [tilespmem:s23+$0xFFFFFFC0];
	vm0 =	veq.s32 v10, v16;
	v2 =	vadd.s32 v11, v2  }
0x6b: {  	v11 =	vld [tilespmem:s21+$0xFFFFFFD0]  }
0x6c: {  	v13 =	vld [tilespmem:s23+$0xFFFFFFD0]  }
0x6d: {  	v7 =	vld [tilespmem:s21+$0xFFFFFFE0]  }
.Ltmp2:
0x6e: {  	v8 =	vld [tilespmem:s23+$0xFFFFFFF0];
	(pc) =	sbr.rel @p0 .LBB2_7-.Ltmp2, $4  }
0x6f: {  	v10 =	vld [tilespmem:s21+$0x20]  }
0x70: {  	vm1 =	veq.s32 v9, v12;
	v9 =	vld [tilespmem:s21+$0x10]  }
0x71: {  	v12 =	vsel vm1, $0x1, v0;
	vm1 =	veq.s32 v11, v13;
	v11 =	vld [tilespmem:s21+$0xFFFFFFF0]  }
0x72: {  	v4 =	vadd.s32 v12, v4;
	v13 =	vsel vm1, $0x1, v0;
	v12 =	vld [tilespmem:s23+$0xFFFFFFE0];
	vm1 =	veq.s32 v15, v17;
	s23 =	sadd.s32 $0x400, s23  }
0x73: {  	_ = 	snop  }
0x74: {  	s20 =	sadd.s32 $0x1, s20  }
0x75: {  	v14 =	vsel vm1, $0x1, v0;
	v3 =	vadd.s32 v13, v3;
	p0 =	sne.s32 s20, $0x10  }
.Ltmp3:
0x76: {  	v4 =	vadd.s32 v14, v4;
	vm14 =	veq.s32 v10, v5;
	vm2 =	veq.s32 v9, v6;
	(pc) =	sbr.rel @p0 .LBB2_6-.Ltmp3, $4  }
0x77: {  	v6 =	vsel vm0, $0x1, v0;
	vm3 =	veq.s32 v11, v8;
	vm15 =	veq.s32 v7, v12  }
0x78: {  	v5 =	vsel vm2, $0x1, v0;
	v7 =	vsel vm3, $0x1, v0;
	v63 =	vsel vm15, $0x1, v0  }
0x79: {  	v1 =	vadd.s32 v7, v1;
	v7 =	vsel vm14, $0x1, v0;
	v2 =	vadd.s32 v63, v2  }
0x7a: {  	s19 =	sadd.s32 $0x1, s19;
	v3 =	vadd.s32 v5, v3;
	v1 =	vadd.s32 v6, v1;
	v2 =	vadd.s32 v7, v2  }
0x7b: {  	v3 =	vadd.s32 v4, v3  }
0x7c: {  	s18 =	sadd.s32 $0x1, s18;
	v2 =	vadd.s32 v2, v3  }
0x7d: {  	p0 =	sne.s32 s18, s8;
	v1 =	vadd.s32 v1, v2  }
.Ltmp4:
0x7e: {  	[tilespmem:$0x8000] =	vst v1;
	(pc) =	sbr.rel @p0 .LBB2_1-.Ltmp4, $4  }
0x7f: {  	[hbm4b:s7+s2] =	stream.linear.scatter [tilespmem:s16], [sflag:$0x5], $0x80, $0x38;
	[tilespmem:$0x8080] =	vst v63  }
0x80: {  	_ =	swait.ge [sflag:s17], $0x80  }
0x81: {  	[sflag:s17] =	ssyncset.done $0x0  }
0x82: {  	[sflag:s17] =	ssyncadd.s32 $0xFFFFFF80  }
0x83: {  	_ =	sfence.sel $0x180000  }
0x84: {  	[bflag:$0x0] =	sbarrier.arrive $0xFFFF  }
0x85: {  	p0 =	sne.s32 s1, $0x0;
	_ =	strace $0x90000047  }
0x86: {  	s0 =	sadd.s32 @!p0 $0x100000, s0;
	[bflag:$0x2] =	sbarrier.arrive $0xFFFF  }
0x87: {  	[sflag:s0] =	ssyncadd.tile.s32 @!p0 $0x1;
	_ =	shalt  }
.Lfunc_end2:
_tile_overlayer_lowered:
.L_overlay_start_2:
0x88: {  	(tag) =	ssettag $0x2  }
0x89: {  	s0 =	rddreg [dreg:$0x0];
	s2 =	stileid.u32  }
0x8a: {  	s1 =	rddreg [dreg:$0x1];
	p0 =	sne.s32 s2, $0x0  }
0x8b: {  	s3 =	rddreg [dreg:$0x2];
	[bflag:$0x3] =	sbarrier.arrive $0xFFFF;
	s2 =	simm.s32 @!p0 $0x1C05  }
0x8c: {  	[timem:s3], [sflag:s2] =	dma.local @!p0 [hbm:s0], s1  }
0x8d: {  	s0 =	simm.s32 @!p0 $0x5  }
0x8e: {  	_ =	swait.ge @!p0 [sflag:s0], s1  }
0x8f: {  	s1 =	ssub.s32 @!p0 $0x0, s1;
	[sflag:s0] =	ssyncset.done @!p0 $0x0  }
0x90: {  	[sflag:s0] =	ssyncadd.s32 @!p0 s1  }
0x91: {  	[bflag:$0x3] =	sbarrier.arrive $0xFFFF  }
0x92: {  	_ =	shalt  }

</sc_bundles>
